<compile_context>
chip_gen: v7x
topology: tpu7x:2x2x1
jax: 0.10.2.dev20260603
libtpu: 0.0.44.dev20260713+nightly
codegen_flags: <defaults>
</compile_context>

<pallas_src>
import jax
import jax.numpy as jnp
from jax import lax
from jax.experimental import pallas as pl
from jax.experimental.pallas import tpu as pltpu
from jax.experimental.pallas import tpu_sc as plsc

BATCH = 16384
EMB_DIM = 128
NW = 32
B_PER_W = BATCH // NW
CHUNK = 128
N_CHUNKS = B_PER_W // CHUNK
VPR = EMB_DIM // 16
ROW_UNROLL = 1


def _body(idx_hbm, uid_table_hbm, iid_table_hbm, out_hbm,
          idx_v, u_bufs, v_bufs, out_buf, sem_u, sem_v):
    wid = lax.axis_index("s") * 2 + lax.axis_index("c")
    base = wid * 2 * N_CHUNKS

    pltpu.sync_copy(idx_hbm.at[pl.ds(base, 2 * N_CHUNKS)], idx_v)

    def start(j, s):
        pltpu.make_async_copy(
            uid_table_hbm.at[idx_v.at[j]], u_bufs.at[s], sem_u).start()
        pltpu.make_async_copy(
            iid_table_hbm.at[idx_v.at[N_CHUNKS + j]], v_bufs.at[s], sem_v).start()

    def wait(s):
        pltpu.make_async_copy(
            uid_table_hbm.at[idx_v.at[0]], u_bufs.at[s], sem_u).wait()
        pltpu.make_async_copy(
            iid_table_hbm.at[idx_v.at[0]], v_bufs.at[s], sem_v).wait()

    lanes = lax.iota(jnp.int32, 16)
    last_lane = lanes == 15

    start(0, 0)

    def chunk_body(j):
        s = lax.rem(j, 2)
        wait(s)

        @pl.when(j + 1 < N_CHUNKS)
        def _():
            start(j + 1, 1 - s)

        obase = j * CHUNK

        def group_body(g):
            r0 = g * ROW_UNROLL
            for i in range(ROW_UNROLL):
                row = r0 + i
                acc = u_bufs[s, row, pl.ds(0, 16)] * v_bufs[s, row, pl.ds(0, 16)]
                for k in range(1, VPR):
                    acc += (u_bufs[s, row, pl.ds(16 * k, 16)]
                            * v_bufs[s, row, pl.ds(16 * k, 16)])
                cum = plsc.cumsum(acc)
                plsc.store_compressed(out_buf.at[pl.ds(obase + row, 16)], cum,
                                      mask=last_lane)

        pl.loop(0, CHUNK // ROW_UNROLL)(group_body)

    pl.loop(0, N_CHUNKS)(chunk_body)
    pltpu.sync_copy(out_buf.at[pl.ds(0, B_PER_W)],
                    out_hbm.at[pl.ds(wid * B_PER_W, B_PER_W)])


@jax.jit
def kernel(x, uid_table, iid_table):
    idx = (x.astype(jnp.int32)
           .reshape(NW, N_CHUNKS, CHUNK, 2)
           .transpose(0, 3, 1, 2)
           .reshape(NW * 2 * N_CHUNKS, CHUNK))

    mesh = plsc.VectorSubcoreMesh(core_axis_name="c", subcore_axis_name="s")
    run = pl.kernel(
        _body,
        out_type=jax.ShapeDtypeStruct((BATCH,), jnp.float32),
        mesh=mesh,
        compiler_params=pltpu.CompilerParams(needs_layout_passes=False),
        scratch_types=[
            pltpu.VMEM((2 * N_CHUNKS, CHUNK), jnp.int32),
            pltpu.VMEM((2, CHUNK, EMB_DIM), jnp.float32),
            pltpu.VMEM((2, CHUNK, EMB_DIM), jnp.float32),
            pltpu.VMEM((B_PER_W + 16,), jnp.float32),
            pltpu.SemaphoreType.DMA,
            pltpu.SemaphoreType.DMA,
        ],
    )
    return run(idx, uid_table, iid_table)

# --- scband reference (transcript-rebuilt; emitter-appended) ---
"""Pipeline reference for scband-mfbased-model-77335181132499 (READ-ONLY COPY).

The authoritative reference and input builder live on the scoring server;
editing this copy changes nothing except your own understanding.
"""

import jax, jax.numpy as jnp
import numpy as np

UID_ALL = 100000
IID_ALL = 100000
EMB_DIM = 128
BATCH = 16384

def setup_inputs(seed: int = 0) -> dict:
    key = jax.random.key(seed)
    k1, k2, k3 = jax.random.split(key, 3)
    x = jax.random.randint(k1, (BATCH, 2), 0, UID_ALL, dtype=jnp.int64 if jax.config.jax_enable_x64 else jnp.int32)
    uid_table = jax.random.normal(k2, (UID_ALL, EMB_DIM), dtype=jnp.float32)
    iid_table = jax.random.normal(k3, (IID_ALL + 1, EMB_DIM), dtype=jnp.float32)
    return {"x": x, "uid_table": uid_table, "iid_table": iid_table}

def reference(x, uid_table, iid_table):
    # MFBasedModel.forward with stage='train_src':
    # emb = LookupEmbedding(x) -> cat([uid_emb, iid_emb], dim=1), shape [B, 2, D]
    # out = sum(emb[:,0,:] * emb[:,1,:], dim=1)
    uid_emb = jnp.take(uid_table, x[:, 0], axis=0)  # [B, D]
    iid_emb = jnp.take(iid_table, x[:, 1], axis=0)  # [B, D]
    out = jnp.sum(uid_emb * iid_emb, axis=1)  # [B]
    return out

if __name__ == "__main__":
    import jax
    _d = setup_inputs()
    print(jax.jit(kernel)(*tuple(_d.values())))

</pallas_src>

<mosaic_0001>
#map = affine_map<(d0, d1) -> (0, 0)>
#map1 = affine_map<(d0, d1) -> (0)>
module attributes {stable_mosaic.version = 14 : i64} {
  func.func @_body(%arg0: i32, %arg1: i32, %arg2: memref<256x128xi32, #tpu.memory_space<hbm>>, %arg3: memref<100000x128xf32, #tpu.memory_space<hbm>>, %arg4: memref<100001x128xf32, #tpu.memory_space<hbm>>, %arg5: memref<16384xf32, #tpu.memory_space<hbm>>, %arg6: memref<8x128xi32, #tpu.memory_space<vmem>>, %arg7: memref<2x128x128xf32, #tpu.memory_space<vmem>>, %arg8: memref<2x128x128xf32, #tpu.memory_space<vmem>>, %arg9: memref<528xf32, #tpu.memory_space<vmem>>, %arg10: memref<!tpu.dma_semaphore, #tpu.memory_space<semaphore_mem>>, %arg11: memref<!tpu.dma_semaphore, #tpu.memory_space<semaphore_mem>>) attributes {dimension_semantics = [#tpu.dimension_semantics<core_parallel>, #tpu.dimension_semantics<subcore_parallel>], iteration_bounds = array<i64: 2, 16>, scalar_prefetch = 0 : i64, scratch_operands = 6 : i64, tpu.core_type = #tpu.core_type<sc_vector_subcore>, window_params = [{transform_indices = #map}, {transform_indices = #map}, {transform_indices = #map}, {transform_indices = #map1}]} {
    %mul3A = arith.constant 2 : i32
    %mul3A_0 = arith.muli %arg1, %mul3A : i32
    %add3A = arith.addi %mul3A_0, %arg0 : i32
    %mul3A_1 = arith.constant 2 : i32
    %mul3A_2 = arith.muli %add3A, %mul3A_1 : i32
    %mul3A_3 = arith.constant 4 : i32
    %mul3A_4 = arith.muli %mul3A_2, %mul3A_3 : i32
    "tpu.region"() ({
      %run_scoped3A = tpu.sem_alloc : memref<!tpu.dma_semaphore, #tpu.memory_space<semaphore_mem>>
      %dma_start3A_36 = arith.constant 0 : i32
      %dma_start3A_37 = tpu.memref_slice %arg2[%mul3A_4, %dma_start3A_36] : memref<256x128xi32, #tpu.memory_space<hbm>> -> memref<8x128xi32, #tpu.memory_space<hbm>>
      %dma_start3A_38 = arith.constant 0 : i32
      %dma_start3A_39 = tpu.memref_slice %arg2[%mul3A_4, %dma_start3A_38] : memref<256x128xi32, #tpu.memory_space<hbm>> -> memref<8x128xi32, #tpu.memory_space<hbm>>
      tpu.enqueue_dma source(%dma_start3A_39 : memref<8x128xi32, #tpu.memory_space<hbm>>) target(%arg6 : memref<8x128xi32, #tpu.memory_space<vmem>>) target_semaphore(%run_scoped3A : memref<!tpu.dma_semaphore, #tpu.memory_space<semaphore_mem>>)
      %dma_wait3A = arith.constant 0 : i32
      %dma_wait3A_40 = tpu.memref_slice %arg2[%mul3A_4, %dma_wait3A] : memref<256x128xi32, #tpu.memory_space<hbm>> -> memref<8x128xi32, #tpu.memory_space<hbm>>
      %dma_wait3A_41 = arith.constant 0 : i32
      %dma_wait3A_42 = tpu.memref_slice %arg2[%mul3A_4, %dma_wait3A_41] : memref<256x128xi32, #tpu.memory_space<hbm>> -> memref<8x128xi32, #tpu.memory_space<hbm>>
      tpu.wait_dma2 semaphore(%run_scoped3A : memref<!tpu.dma_semaphore, #tpu.memory_space<semaphore_mem>>) src(%dma_wait3A_42 : memref<8x128xi32, #tpu.memory_space<hbm>>) dst(%arg6 : memref<8x128xi32, #tpu.memory_space<vmem>>)
      tpu.yield
    }) : () -> ()
    %iota3A = tpu.iota {dimensions = array<i32: 0>} : vector<16xi32>
    %eq3A = arith.constant 15 : i32
    %eq3A_5 = vector.broadcast %eq3A : i32 to vector<16xi32>
    %eq3A_6 = arith.cmpi eq, %iota3A, %eq3A_5 : vector<16xi32>
    %dma_start3A = arith.constant 0 : i32
    %dma_start3A_7 = arith.constant 0 : i32
    %dma_start3A_8 = arith.constant 0 : i32
    %dma_start3A_9 = arith.constant 0 : i32
    %dma_start3A_10 = tpu.memref_slice %arg7[%dma_start3A_7, %dma_start3A_8, %dma_start3A_9] : memref<2x128x128xf32, #tpu.memory_space<vmem>> -> memref<1x128x128xf32, #tpu.memory_space<vmem>>
    %dma_start3A_11 = tpu.memref_squeeze %dma_start3A_10 : memref<1x128x128xf32, #tpu.memory_space<vmem>> -> memref<128x128xf32, #tpu.memory_space<vmem>>
    %dma_start3A_12 = arith.constant 0 : i32
    %dma_start3A_13 = tpu.memref_slice %arg6[%dma_start3A, %dma_start3A_12] : memref<8x128xi32, #tpu.memory_space<vmem>> -> memref<1x128xi32, #tpu.memory_space<vmem>>
    %dma_start3A_14 = tpu.memref_squeeze %dma_start3A_13 : memref<1x128xi32, #tpu.memory_space<vmem>> -> memref<128xi32, #tpu.memory_space<vmem>>
    %dma_start3A_15 = arith.constant 0 : i32
    %dma_start3A_16 = arith.constant 0 : i32
    %dma_start3A_17 = tpu.memref_slice %arg3[%dma_start3A_15, %dma_start3A_16] : memref<100000x128xf32, #tpu.memory_space<hbm>> -> memref<100000x128xf32, #tpu.memory_space<hbm>>
    tpu.enqueue_indirect_dma source(%dma_start3A_17 : memref<100000x128xf32, #tpu.memory_space<hbm>>) target(%dma_start3A_11 : memref<128x128xf32, #tpu.memory_space<vmem>>) offsets(%dma_start3A_14 : memref<128xi32, #tpu.memory_space<vmem>>) semaphore(%arg10 : memref<!tpu.dma_semaphore, #tpu.memory_space<semaphore_mem>>)
    %dma_start3A_18 = arith.constant 4 : i32
    %dma_start3A_19 = arith.constant 0 : i32
    %dma_start3A_20 = arith.constant 0 : i32
    %dma_start3A_21 = arith.constant 0 : i32
    %dma_start3A_22 = tpu.memref_slice %arg8[%dma_start3A_19, %dma_start3A_20, %dma_start3A_21] : memref<2x128x128xf32, #tpu.memory_space<vmem>> -> memref<1x128x128xf32, #tpu.memory_space<vmem>>
    %dma_start3A_23 = tpu.memref_squeeze %dma_start3A_22 : memref<1x128x128xf32, #tpu.memory_space<vmem>> -> memref<128x128xf32, #tpu.memory_space<vmem>>
    %dma_start3A_24 = arith.constant 0 : i32
    %dma_start3A_25 = tpu.memref_slice %arg6[%dma_start3A_18, %dma_start3A_24] : memref<8x128xi32, #tpu.memory_space<vmem>> -> memref<1x128xi32, #tpu.memory_space<vmem>>
    %dma_start3A_26 = tpu.memref_squeeze %dma_start3A_25 : memref<1x128xi32, #tpu.memory_space<vmem>> -> memref<128xi32, #tpu.memory_space<vmem>>
    %dma_start3A_27 = arith.constant 0 : i32
    %dma_start3A_28 = arith.constant 0 : i32
    %dma_start3A_29 = tpu.memref_slice %arg4[%dma_start3A_27, %dma_start3A_28] : memref<100001x128xf32, #tpu.memory_space<hbm>> -> memref<100001x128xf32, #tpu.memory_space<hbm>>
    tpu.enqueue_indirect_dma source(%dma_start3A_29 : memref<100001x128xf32, #tpu.memory_space<hbm>>) target(%dma_start3A_23 : memref<128x128xf32, #tpu.memory_space<vmem>>) offsets(%dma_start3A_26 : memref<128xi32, #tpu.memory_space<vmem>>) semaphore(%arg11 : memref<!tpu.dma_semaphore, #tpu.memory_space<semaphore_mem>>)
    %scan3A = arith.constant 0 : i32
    %scan3A_30 = arith.constant 4 : i32
    %scan3A_31 = arith.addi %scan3A, %scan3A_30 : i32
    %scan3A_32 = arith.constant 1 : i32
    scf.for %scan3A_36 = %scan3A to %scan3A_31 step %scan3A_32  : i32 {
      %mul3A_37 = arith.constant 1 : i32
      %mul3A_38 = arith.muli %scan3A_36, %mul3A_37 : i32
      %add3A_39 = arith.constant 0 : i32
      %add3A_40 = arith.addi %add3A_39, %mul3A_38 : i32
      %rem3A = arith.constant 2 : i32
      %rem3A_41 = arith.remsi %add3A_40, %rem3A : i32
      %dma_wait3A = arith.constant 0 : i32
      %dma_wait3A_42 = arith.constant 0 : i32
      %dma_wait3A_43 = arith.constant 0 : i32
      %dma_wait3A_44 = tpu.memref_slice %arg7[%rem3A_41, %dma_wait3A_42, %dma_wait3A_43] : memref<2x128x128xf32, #tpu.memory_space<vmem>> -> memref<1x128x128xf32, #tpu.memory_space<vmem>>
      %dma_wait3A_45 = tpu.memref_squeeze %dma_wait3A_44 : memref<1x128x128xf32, #tpu.memory_space<vmem>> -> memref<128x128xf32, #tpu.memory_space<vmem>>
      %dma_wait3A_46 = arith.constant 0 : i32
      %dma_wait3A_47 = tpu.memref_slice %arg6[%dma_wait3A, %dma_wait3A_46] : memref<8x128xi32, #tpu.memory_space<vmem>> -> memref<1x128xi32, #tpu.memory_space<vmem>>
      %dma_wait3A_48 = tpu.memref_squeeze %dma_wait3A_47 : memref<1x128xi32, #tpu.memory_space<vmem>> -> memref<128xi32, #tpu.memory_space<vmem>>
      %dma_wait3A_49 = arith.constant 0 : i32
      %dma_wait3A_50 = arith.constant 0 : i32
      %dma_wait3A_51 = tpu.memref_slice %arg3[%dma_wait3A_49, %dma_wait3A_50] : memref<100000x128xf32, #tpu.memory_space<hbm>> -> memref<100000x128xf32, #tpu.memory_space<hbm>>
      tpu.wait_indirect_dma semaphore(%arg10 : memref<!tpu.dma_semaphore, #tpu.memory_space<semaphore_mem>>) src(%dma_wait3A_51 : memref<100000x128xf32, #tpu.memory_space<hbm>>) dst(%dma_wait3A_45 : memref<128x128xf32, #tpu.memory_space<vmem>>)
      %dma_wait3A_52 = arith.constant 0 : i32
      %dma_wait3A_53 = arith.constant 0 : i32
      %dma_wait3A_54 = arith.constant 0 : i32
      %dma_wait3A_55 = tpu.memref_slice %arg8[%rem3A_41, %dma_wait3A_53, %dma_wait3A_54] : memref<2x128x128xf32, #tpu.memory_space<vmem>> -> memref<1x128x128xf32, #tpu.memory_space<vmem>>
      %dma_wait3A_56 = tpu.memref_squeeze %dma_wait3A_55 : memref<1x128x128xf32, #tpu.memory_space<vmem>> -> memref<128x128xf32, #tpu.memory_space<vmem>>
      %dma_wait3A_57 = arith.constant 0 : i32
      %dma_wait3A_58 = tpu.memref_slice %arg6[%dma_wait3A_52, %dma_wait3A_57] : memref<8x128xi32, #tpu.memory_space<vmem>> -> memref<1x128xi32, #tpu.memory_space<vmem>>
      %dma_wait3A_59 = tpu.memref_squeeze %dma_wait3A_58 : memref<1x128xi32, #tpu.memory_space<vmem>> -> memref<128xi32, #tpu.memory_space<vmem>>
      %dma_wait3A_60 = arith.constant 0 : i32
      %dma_wait3A_61 = arith.constant 0 : i32
      %dma_wait3A_62 = tpu.memref_slice %arg4[%dma_wait3A_60, %dma_wait3A_61] : memref<100001x128xf32, #tpu.memory_space<hbm>> -> memref<100001x128xf32, #tpu.memory_space<hbm>>
      tpu.wait_indirect_dma semaphore(%arg11 : memref<!tpu.dma_semaphore, #tpu.memory_space<semaphore_mem>>) src(%dma_wait3A_62 : memref<100001x128xf32, #tpu.memory_space<hbm>>) dst(%dma_wait3A_56 : memref<128x128xf32, #tpu.memory_space<vmem>>)
      %add3A_63 = arith.constant 1 : i32
      %add3A_64 = arith.addi %add3A_40, %add3A_63 : i32
      %lt3A = arith.constant 4 : i32
      %lt3A_65 = arith.cmpi slt, %add3A_64, %lt3A : i32
      %convert_element_type3A = arith.extui %lt3A_65 : i1 to i32
      %cond3A = arith.constant 0 : i32
      %cond3A_66 = arith.cmpi ne, %convert_element_type3A, %cond3A : i32
      scf.if %cond3A_66 {
        %add3A_74 = arith.constant 1 : i32
        %add3A_75 = arith.addi %add3A_40, %add3A_74 : i32
        %sub3A = arith.constant 1 : i32
        %sub3A_76 = arith.subi %sub3A, %rem3A_41 : i32
        %dma_start3A_77 = arith.constant 0 : i32
        %dma_start3A_78 = arith.constant 0 : i32
        %dma_start3A_79 = tpu.memref_slice %arg7[%sub3A_76, %dma_start3A_77, %dma_start3A_78] : memref<2x128x128xf32, #tpu.memory_space<vmem>> -> memref<1x128x128xf32, #tpu.memory_space<vmem>>
        %dma_start3A_80 = tpu.memref_squeeze %dma_start3A_79 : memref<1x128x128xf32, #tpu.memory_space<vmem>> -> memref<128x128xf32, #tpu.memory_space<vmem>>
        %dma_start3A_81 = arith.constant 0 : i32
        %dma_start3A_82 = tpu.memref_slice %arg6[%add3A_75, %dma_start3A_81] : memref<8x128xi32, #tpu.memory_space<vmem>> -> memref<1x128xi32, #tpu.memory_space<vmem>>
        %dma_start3A_83 = tpu.memref_squeeze %dma_start3A_82 : memref<1x128xi32, #tpu.memory_space<vmem>> -> memref<128xi32, #tpu.memory_space<vmem>>
        %dma_start3A_84 = arith.constant 0 : i32
        %dma_start3A_85 = arith.constant 0 : i32
        %dma_start3A_86 = tpu.memref_slice %arg3[%dma_start3A_84, %dma_start3A_85] : memref<100000x128xf32, #tpu.memory_space<hbm>> -> memref<100000x128xf32, #tpu.memory_space<hbm>>
        tpu.enqueue_indirect_dma source(%dma_start3A_86 : memref<100000x128xf32, #tpu.memory_space<hbm>>) target(%dma_start3A_80 : memref<128x128xf32, #tpu.memory_space<vmem>>) offsets(%dma_start3A_83 : memref<128xi32, #tpu.memory_space<vmem>>) semaphore(%arg10 : memref<!tpu.dma_semaphore, #tpu.memory_space<semaphore_mem>>)
        %add3A_87 = arith.constant 4 : i32
        %add3A_88 = arith.addi %add3A_87, %add3A_75 : i32
        %dma_start3A_89 = arith.constant 0 : i32
        %dma_start3A_90 = arith.constant 0 : i32
        %dma_start3A_91 = tpu.memref_slice %arg8[%sub3A_76, %dma_start3A_89, %dma_start3A_90] : memref<2x128x128xf32, #tpu.memory_space<vmem>> -> memref<1x128x128xf32, #tpu.memory_space<vmem>>
        %dma_start3A_92 = tpu.memref_squeeze %dma_start3A_91 : memref<1x128x128xf32, #tpu.memory_space<vmem>> -> memref<128x128xf32, #tpu.memory_space<vmem>>
        %dma_start3A_93 = arith.constant 0 : i32
        %dma_start3A_94 = tpu.memref_slice %arg6[%add3A_88, %dma_start3A_93] : memref<8x128xi32, #tpu.memory_space<vmem>> -> memref<1x128xi32, #tpu.memory_space<vmem>>
        %dma_start3A_95 = tpu.memref_squeeze %dma_start3A_94 : memref<1x128xi32, #tpu.memory_space<vmem>> -> memref<128xi32, #tpu.memory_space<vmem>>
        %dma_start3A_96 = arith.constant 0 : i32
        %dma_start3A_97 = arith.constant 0 : i32
        %dma_start3A_98 = tpu.memref_slice %arg4[%dma_start3A_96, %dma_start3A_97] : memref<100001x128xf32, #tpu.memory_space<hbm>> -> memref<100001x128xf32, #tpu.memory_space<hbm>>
        tpu.enqueue_indirect_dma source(%dma_start3A_98 : memref<100001x128xf32, #tpu.memory_space<hbm>>) target(%dma_start3A_92 : memref<128x128xf32, #tpu.memory_space<vmem>>) offsets(%dma_start3A_95 : memref<128xi32, #tpu.memory_space<vmem>>) semaphore(%arg11 : memref<!tpu.dma_semaphore, #tpu.memory_space<semaphore_mem>>)
      } else {
      }
      %mul3A_67 = arith.constant 128 : i32
      %mul3A_68 = arith.muli %add3A_40, %mul3A_67 : i32
      %scan3A_69 = arith.constant 0 : i32
      %scan3A_70 = arith.constant 128 : i32
      %scan3A_71 = arith.addi %scan3A_69, %scan3A_70 : i32
      %scan3A_72 = arith.constant 1 : i32
      scf.for %scan3A_74 = %scan3A_69 to %scan3A_71 step %scan3A_72  : i32 {
        %mul3A_75 = arith.constant 1 : i32
        %mul3A_76 = arith.muli %scan3A_74, %mul3A_75 : i32
        %add3A_77 = arith.constant 0 : i32
        %add3A_78 = arith.addi %add3A_77, %mul3A_76 : i32
        %mul3A_79 = arith.constant 1 : i32
        %mul3A_80 = arith.muli %add3A_78, %mul3A_79 : i32
        %add3A_81 = arith.constant 0 : i32
        %add3A_82 = arith.addi %mul3A_80, %add3A_81 : i32
        %get3A = arith.index_cast %rem3A_41 : i32 to index
        %get3A_83 = arith.index_cast %add3A_82 : i32 to index
        %get3A_84 = arith.constant 0 : index
        %get3A_85 = tpu.vector_load %arg7[%get3A, %get3A_83, %get3A_84] {strides = array<i32>} : memref<2x128x128xf32, #tpu.memory_space<vmem>>, vector<16xf32>,
        %get3A_86 = arith.index_cast %rem3A_41 : i32 to index
        %get3A_87 = arith.index_cast %add3A_82 : i32 to index
        %get3A_88 = arith.constant 0 : index
        %get3A_89 = tpu.vector_load %arg8[%get3A_86, %get3A_87, %get3A_88] {strides = array<i32>} : memref<2x128x128xf32, #tpu.memory_space<vmem>>, vector<16xf32>,
        %mul3A_90 = arith.mulf %get3A_85, %get3A_89 : vector<16xf32>
        %get3A_91 = arith.index_cast %rem3A_41 : i32 to index
        %get3A_92 = arith.index_cast %add3A_82 : i32 to index
        %get3A_93 = arith.constant 16 : index
        %get3A_94 = tpu.vector_load %arg7[%get3A_91, %get3A_92, %get3A_93] {strides = array<i32>} : memref<2x128x128xf32, #tpu.memory_space<vmem>>, vector<16xf32>,
        %get3A_95 = arith.index_cast %rem3A_41 : i32 to index
        %get3A_96 = arith.index_cast %add3A_82 : i32 to index
        %get3A_97 = arith.constant 16 : index
        %get3A_98 = tpu.vector_load %arg8[%get3A_95, %get3A_96, %get3A_97] {strides = array<i32>} : memref<2x128x128xf32, #tpu.memory_space<vmem>>, vector<16xf32>,
        %mul3A_99 = arith.mulf %get3A_94, %get3A_98 : vector<16xf32>
        %add3A_100 = arith.addf %mul3A_90, %mul3A_99 : vector<16xf32>
        %get3A_101 = arith.index_cast %rem3A_41 : i32 to index
        %get3A_102 = arith.index_cast %add3A_82 : i32 to index
        %get3A_103 = arith.constant 32 : index
        %get3A_104 = tpu.vector_load %arg7[%get3A_101, %get3A_102, %get3A_103] {strides = array<i32>} : memref<2x128x128xf32, #tpu.memory_space<vmem>>, vector<16xf32>,
        %get3A_105 = arith.index_cast %rem3A_41 : i32 to index
        %get3A_106 = arith.index_cast %add3A_82 : i32 to index
        %get3A_107 = arith.constant 32 : index
        %get3A_108 = tpu.vector_load %arg8[%get3A_105, %get3A_106, %get3A_107] {strides = array<i32>} : memref<2x128x128xf32, #tpu.memory_space<vmem>>, vector<16xf32>,
        %mul3A_109 = arith.mulf %get3A_104, %get3A_108 : vector<16xf32>
        %add3A_110 = arith.addf %add3A_100, %mul3A_109 : vector<16xf32>
        %get3A_111 = arith.index_cast %rem3A_41 : i32 to index
        %get3A_112 = arith.index_cast %add3A_82 : i32 to index
        %get3A_113 = arith.constant 48 : index
        %get3A_114 = tpu.vector_load %arg7[%get3A_111, %get3A_112, %get3A_113] {strides = array<i32>} : memref<2x128x128xf32, #tpu.memory_space<vmem>>, vector<16xf32>,
        %get3A_115 = arith.index_cast %rem3A_41 : i32 to index
        %get3A_116 = arith.index_cast %add3A_82 : i32 to index
        %get3A_117 = arith.constant 48 : index
        %get3A_118 = tpu.vector_load %arg8[%get3A_115, %get3A_116, %get3A_117] {strides = array<i32>} : memref<2x128x128xf32, #tpu.memory_space<vmem>>, vector<16xf32>,
        %mul3A_119 = arith.mulf %get3A_114, %get3A_118 : vector<16xf32>
        %add3A_120 = arith.addf %add3A_110, %mul3A_119 : vector<16xf32>
        %get3A_121 = arith.index_cast %rem3A_41 : i32 to index
        %get3A_122 = arith.index_cast %add3A_82 : i32 to index
        %get3A_123 = arith.constant 64 : index
        %get3A_124 = tpu.vector_load %arg7[%get3A_121, %get3A_122, %get3A_123] {strides = array<i32>} : memref<2x128x128xf32, #tpu.memory_space<vmem>>, vector<16xf32>,
        %get3A_125 = arith.index_cast %rem3A_41 : i32 to index
        %get3A_126 = arith.index_cast %add3A_82 : i32 to index
        %get3A_127 = arith.constant 64 : index
        %get3A_128 = tpu.vector_load %arg8[%get3A_125, %get3A_126, %get3A_127] {strides = array<i32>} : memref<2x128x128xf32, #tpu.memory_space<vmem>>, vector<16xf32>,
        %mul3A_129 = arith.mulf %get3A_124, %get3A_128 : vector<16xf32>
        %add3A_130 = arith.addf %add3A_120, %mul3A_129 : vector<16xf32>
        %get3A_131 = arith.index_cast %rem3A_41 : i32 to index
        %get3A_132 = arith.index_cast %add3A_82 : i32 to index
        %get3A_133 = arith.constant 80 : index
        %get3A_134 = tpu.vector_load %arg7[%get3A_131, %get3A_132, %get3A_133] {strides = array<i32>} : memref<2x128x128xf32, #tpu.memory_space<vmem>>, vector<16xf32>,
        %get3A_135 = arith.index_cast %rem3A_41 : i32 to index
        %get3A_136 = arith.index_cast %add3A_82 : i32 to index
        %get3A_137 = arith.constant 80 : index
        %get3A_138 = tpu.vector_load %arg8[%get3A_135, %get3A_136, %get3A_137] {strides = array<i32>} : memref<2x128x128xf32, #tpu.memory_space<vmem>>, vector<16xf32>,
        %mul3A_139 = arith.mulf %get3A_134, %get3A_138 : vector<16xf32>
        %add3A_140 = arith.addf %add3A_130, %mul3A_139 : vector<16xf32>
        %get3A_141 = arith.index_cast %rem3A_41 : i32 to index
        %get3A_142 = arith.index_cast %add3A_82 : i32 to index
        %get3A_143 = arith.constant 96 : index
        %get3A_144 = tpu.vector_load %arg7[%get3A_141, %get3A_142, %get3A_143] {strides = array<i32>} : memref<2x128x128xf32, #tpu.memory_space<vmem>>, vector<16xf32>,
        %get3A_145 = arith.index_cast %rem3A_41 : i32 to index
        %get3A_146 = arith.index_cast %add3A_82 : i32 to index
        %get3A_147 = arith.constant 96 : index
        %get3A_148 = tpu.vector_load %arg8[%get3A_145, %get3A_146, %get3A_147] {strides = array<i32>} : memref<2x128x128xf32, #tpu.memory_space<vmem>>, vector<16xf32>,
        %mul3A_149 = arith.mulf %get3A_144, %get3A_148 : vector<16xf32>
        %add3A_150 = arith.addf %add3A_140, %mul3A_149 : vector<16xf32>
        %get3A_151 = arith.index_cast %rem3A_41 : i32 to index
        %get3A_152 = arith.index_cast %add3A_82 : i32 to index
        %get3A_153 = arith.constant 112 : index
        %get3A_154 = tpu.vector_load %arg7[%get3A_151, %get3A_152, %get3A_153] {strides = array<i32>} : memref<2x128x128xf32, #tpu.memory_space<vmem>>, vector<16xf32>,
        %get3A_155 = arith.index_cast %rem3A_41 : i32 to index
        %get3A_156 = arith.index_cast %add3A_82 : i32 to index
        %get3A_157 = arith.constant 112 : index
        %get3A_158 = tpu.vector_load %arg8[%get3A_155, %get3A_156, %get3A_157] {strides = array<i32>} : memref<2x128x128xf32, #tpu.memory_space<vmem>>, vector<16xf32>,
        %mul3A_159 = arith.mulf %get3A_154, %get3A_158 : vector<16xf32>
        %add3A_160 = arith.addf %add3A_150, %mul3A_159 : vector<16xf32>
        %broadcast_in_dim3A = arith.constant true
        %broadcast_in_dim3A_161 = vector.broadcast %broadcast_in_dim3A : i1 to vector<16xi1>
        %masked_cumsum3A = tpu.scan <sum>, %add3A_160 masked %broadcast_in_dim3A_161 : vector<16xf32>, vector<16xi1> -> vector<16xf32>
        %add3A_162 = arith.addi %mul3A_68, %add3A_82 : i32
        %swap3A = arith.index_cast %add3A_162 : i32 to index
        %swap3A_163 = tpu.vector_load %arg9[%swap3A] masked %eq3A_6 {strides = array<i32>} : memref<528xf32, #tpu.memory_space<vmem>>, vector<16xf32>, vector<16xi1>
        tpu.vector_store %arg9[%swap3A], %masked_cumsum3A masked %eq3A_6 {strides = array<i32>} : memref<528xf32, #tpu.memory_space<vmem>>, vector<16xf32>, vector<16xi1>
      }
      %scan3A_73 = arith.constant 128 : i32
    }
    %scan3A_33 = arith.constant 4 : i32
    %mul3A_34 = arith.constant 512 : i32
    %mul3A_35 = arith.muli %add3A, %mul3A_34 : i32
    "tpu.region"() ({
      %run_scoped3A = tpu.sem_alloc : memref<!tpu.dma_semaphore, #tpu.memory_space<semaphore_mem>>
      %dma_start3A_36 = arith.constant 0 : i32
      %dma_start3A_37 = tpu.memref_slice %arg9[%dma_start3A_36] : memref<528xf32, #tpu.memory_space<vmem>> -> memref<512xf32, #tpu.memory_space<vmem>>
      %dma_start3A_38 = tpu.memref_slice %arg5[%mul3A_35] : memref<16384xf32, #tpu.memory_space<hbm>> -> memref<512xf32, #tpu.memory_space<hbm>>
      %dma_start3A_39 = tpu.memref_slice %arg5[%mul3A_35] : memref<16384xf32, #tpu.memory_space<hbm>> -> memref<512xf32, #tpu.memory_space<hbm>>
      %dma_start3A_40 = arith.constant 0 : i32
      %dma_start3A_41 = tpu.memref_slice %arg9[%dma_start3A_40] : memref<528xf32, #tpu.memory_space<vmem>> -> memref<512xf32, #tpu.memory_space<vmem>>
      tpu.enqueue_dma source(%dma_start3A_41 : memref<512xf32, #tpu.memory_space<vmem>>) target(%dma_start3A_39 : memref<512xf32, #tpu.memory_space<hbm>>) target_semaphore(%run_scoped3A : memref<!tpu.dma_semaphore, #tpu.memory_space<semaphore_mem>>)
      %dma_wait3A = arith.constant 0 : i32
      %dma_wait3A_42 = tpu.memref_slice %arg9[%dma_wait3A] : memref<528xf32, #tpu.memory_space<vmem>> -> memref<512xf32, #tpu.memory_space<vmem>>
      %dma_wait3A_43 = tpu.memref_slice %arg5[%mul3A_35] : memref<16384xf32, #tpu.memory_space<hbm>> -> memref<512xf32, #tpu.memory_space<hbm>>
      %dma_wait3A_44 = tpu.memref_slice %arg5[%mul3A_35] : memref<16384xf32, #tpu.memory_space<hbm>> -> memref<512xf32, #tpu.memory_space<hbm>>
      %dma_wait3A_45 = arith.constant 0 : i32
      %dma_wait3A_46 = tpu.memref_slice %arg9[%dma_wait3A_45] : memref<528xf32, #tpu.memory_space<vmem>> -> memref<512xf32, #tpu.memory_space<vmem>>
      tpu.wait_dma2 semaphore(%run_scoped3A : memref<!tpu.dma_semaphore, #tpu.memory_space<semaphore_mem>>) src(%dma_wait3A_46 : memref<512xf32, #tpu.memory_space<vmem>>) dst(%dma_wait3A_44 : memref<512xf32, #tpu.memory_space<hbm>>)
      tpu.yield
    }) : () -> ()
    return
  }
}

</mosaic_0001>

<sc_bundles>
// kernel: kernel.3.cloned.1.call-start
scs
__scs_entry_jumppad:
0x0: {  	(pc) =	sbr.rel $0x88, $3  }
0x1: {  	(tag) =	ssettag $0x0;
	lr =	simm.s32 $0x1  }
0x2: {  	[smem:$0x3F9E] =	sst lr;
	_ =	strace $0xD0000000  }
0x3: {  	_ = 	snop  }
0x4: {  	_ = 	snop  }
0x5: {  	_ = 	snop  }
0x6: {  	_ = 	snop  }
0x7: {  	_ = 	snop  }
__scs_overlays_trampoline_lowered:
0x8: {  	[smem:$0x3FAD] =	sst s0  }
0x9: {  	[smem:$0x3FAE] =	sst s1  }
0xa: {  	[smem:$0x3FAF] =	sst s2  }
0xb: {  	[smem:$0x3FB0] =	sst s3  }
0xc: {  	[smem:$0x3FB1] =	sst s4  }
0xd: {  	[smem:$0x3FB2] =	sst s5  }
0xe: {  	[smem:$0x3FB3] =	sst s6  }
0xf: {  	[smem:$0x3FB4] =	sst s7  }
0x10: {  	[smem:$0x3FB5] =	sst s8  }
0x11: {  	[smem:$0x3FB6] =	sst s9;
	s0 =	simm.s32 @!p0 $0x0  }
0x12: {  	s1 =	sld [smem:$0x3F9C];
	s0 =	simm.s32 @p0 $0x1  }
0x13: {  	[smem:$0x3FB7] =	sst s0;
	s0 =	simm.s32 @!p1 $0x0  }
0x14: {  	s2 =	sld [smem:$0x3F9B];
	s0 =	simm.s32 @p1 $0x1  }
0x15: {  	[smem:$0x3FB8] =	sst s0;
	s0 =	simm.s32 @!p2 $0x0  }
0x16: {  	s3 =	sld [smem:$0x3FDB];
	s0 =	simm.s32 @p2 $0x1  }
0x17: {  	s4 =	simm.s32 $0x1BF5;
	[smem:$0x3FBA] =	sst s0  }
0x18: {  	s0 =	sld [smem:$0x3F9D];
	_ =	swait.ge [sflag:s4], $0x0  }
0x19: {  	s7 =	sld [smem:$0x3F9E]  }
0x1a: {  	s8 =	sadd.s32 $0xFFFFE003, lr  }
0x1b: {  	s9 =	sadd.s32 $0xFFFFFEF7, lr;
	s5 =	simm.s32 $0xFFFFFFFF;
	p2 =	slt.u32 s8, $0xFFFFF086  }
0x1c: {  	p1 =	slt.u32 s9, $0xF7A;
	s5 =	simm.s32 @!p2 $0x0  }
0x1d: {  	s5 =	simm.s32 @p1 $0x1;
	p0 =	seq.s32 s7, s2  }
0x1e: {  	s7 =	smul.u32 @!p0 $0xF7A, s2;
	p2 =	seq.s32 @!p0 s5, $0x0  }
0x1f: {  	s9 =	smul.u32 $0xF7A, s1;
	s8 =	simm.s32 @!p0 $0x1BF5;
	p2 =	por !p2, p0  }
0x20: {  	[sflag:s8] =	ssyncset.s32 @!p0 $0xFFFFF086;
	s6 =	sadd.s32 @!p0 s3, s7;
	s7 =	simm.s32 @!p0 $0x108  }
0x21: {  	s3 =	sadd.s32 s3, s9;
	s6 =	sadd.s32 @!p0 $0x88, s6;
	s7 =	simm.s32 @p2 $0x1082  }
0x22: {  	[simem:s7], [sflag:s8] =	dma.local @!p0 [hbm:s6], $0xF7A  }
0x23: {  	s9 =	sor.u32 $0xD0000000, s2;
	s6 =	simm.s32 $0x108;
	_ =	swait.ge @!p0 [sflag:s8], $0x0  }
0x24: {  	s3 =	sadd.s32 $0x88, s3;
	s6 =	simm.s32 @!p1 $0x1082;
	[sflag:s4] =	ssyncset.s32 $0xFFFFF086  }
0x25: {  	[simem:s6], [sflag:s4] =	dma.local [hbm:s3], $0xF7A  }
0x26: {  	[smem:$0x3F9E] =	sst s1;
	(tag) =	ssettag s2;
	_ =	strace s9  }
0x27: {  	s1 =	sld [smem:$0x3FAE]  }
0x28: {  	s2 =	sld [smem:$0x3FAF]  }
0x29: {  	s4 =	sld [smem:$0x3FB1]  }
0x2a: {  	p0 =	seq.s32 s5, $0x0;
	s5 =	sld [smem:$0x3FB2]  }
0x2b: {  	s6 =	sld [smem:$0x3FB3]  }
0x2c: {  	s7 =	sld [smem:$0x3FB4]  }
0x2d: {  	s3 =	simm.s32 $0x108;
	s8 =	sld [smem:$0x3FB5]  }
0x2e: {  	s3 =	simm.s32 @!p0 $0x1082;
	s9 =	sld [smem:$0x3FB6]  }
0x2f: {  	lr =	sadd.s32 s0, s3;
	s0 =	sld [smem:$0x3FAD]  }
0x30: {  	s3 =	sld [smem:$0x3FB0]  }
0x31: {  	[smem:$0x3FB9] =	sst s10  }
0x32: {  	s10 =	sld [smem:$0x3FB7];
	_ =	sdelay $0x3  }
0x33: {  	p0 =	seq.s32 s10, $0x1;
	s10 =	sld [smem:$0x3FB9];
	_ =	sdelay $0x3  }
0x34: {  	[smem:$0x3FB9] =	sst s10  }
0x35: {  	s10 =	sld [smem:$0x3FB8];
	_ =	sdelay $0x3  }
0x36: {  	p1 =	seq.s32 s10, $0x1;
	s10 =	sld [smem:$0x3FB9];
	_ =	sdelay $0x3  }
0x37: {  	[smem:$0x3FB9] =	sst s10  }
0x38: {  	s10 =	sld [smem:$0x3FBA]  }
0x39: {  	_ = 	snop;
	(pc) =	sbr.ind lr, $3  }
0x3a: {  	_ = 	snop  }
0x3b: {  	_ = 	snop  }
0x3c: {  	p2 =	seq.s32 s10, $0x1;
	s10 =	sld [smem:$0x3FB9]  }
0x3d: {  	_ =	shalt  }
0x3e: {  	_ =	shalt  }
0x3f: {  	_ =	shalt  }
0x40: {  	_ =	shalt  }
0x41: {  	_ =	shalt  }
0x42: {  	_ =	shalt  }
0x43: {  	_ =	shalt  }
0x44: {  	_ =	shalt  }
0x45: {  	_ =	shalt  }
0x46: {  	_ =	shalt  }
0x47: {  	_ =	shalt  }
0x48: {  	_ =	shalt  }
0x49: {  	_ =	shalt  }
0x4a: {  	_ =	shalt  }
0x4b: {  	_ =	shalt  }
0x4c: {  	_ =	shalt  }
0x4d: {  	_ =	shalt  }
0x4e: {  	_ =	shalt  }
0x4f: {  	_ =	shalt  }
0x50: {  	_ =	shalt  }
0x51: {  	_ =	shalt  }
0x52: {  	_ =	shalt  }
0x53: {  	_ =	shalt  }
0x54: {  	_ =	shalt  }
0x55: {  	_ =	shalt  }
0x56: {  	_ =	shalt  }
0x57: {  	_ =	shalt  }
0x58: {  	_ =	shalt  }
0x59: {  	_ =	shalt  }
0x5a: {  	_ =	shalt  }
0x5b: {  	_ =	shalt  }
0x5c: {  	_ =	shalt  }
0x5d: {  	_ =	shalt  }
0x5e: {  	_ =	shalt  }
0x5f: {  	_ =	shalt  }
0x60: {  	_ =	shalt  }
0x61: {  	_ =	shalt  }
0x62: {  	_ =	shalt  }
0x63: {  	_ =	shalt  }
0x64: {  	_ =	shalt  }
0x65: {  	_ =	shalt  }
0x66: {  	_ =	shalt  }
0x67: {  	_ =	shalt  }
0x68: {  	_ =	shalt  }
0x69: {  	_ =	shalt  }
0x6a: {  	_ =	shalt  }
0x6b: {  	_ =	shalt  }
0x6c: {  	_ =	shalt  }
0x6d: {  	_ =	shalt  }
0x6e: {  	_ =	shalt  }
0x6f: {  	_ =	shalt  }
0x70: {  	_ =	shalt  }
0x71: {  	_ =	shalt  }
0x72: {  	_ =	shalt  }
0x73: {  	_ =	shalt  }
0x74: {  	_ =	shalt  }
0x75: {  	_ =	shalt  }
0x76: {  	_ =	shalt  }
0x77: {  	_ =	shalt  }
0x78: {  	_ =	shalt  }
0x79: {  	_ =	shalt  }
0x7a: {  	_ =	shalt  }
0x7b: {  	_ =	shalt  }
0x7c: {  	_ =	shalt  }
0x7d: {  	_ =	shalt  }
0x7e: {  	_ =	shalt  }
0x7f: {  	_ =	shalt  }
0x80: {  	_ =	shalt  }
0x81: {  	_ =	shalt  }
0x82: {  	_ =	shalt  }
0x83: {  	_ =	shalt  }
0x84: {  	_ =	shalt  }
0x85: {  	_ =	shalt  }
0x86: {  	_ =	shalt  }
0x87: {  	_ =	shalt  }
.Lfunc_end0:
.L_simem_size_0:
called_computation_lowered:
.L_overlay_start_0:
0x88: {  	s2 =	sld [smem:$0x3FD9]  }
0x89: {  	s3 =	sld [smem:$0x3FFE];
	_ =	sdelay $0x1  }
0x8a: {  	s1 =	srdreg.scid  }
0x8b: {  	s0 =	sand.u32 $0x1, s1  }
0x8c: {  	s17 =	sshll.u32 s0, $0xA;
	s2 =	sadd.s32 s3, s2  }
0x8d: {  	s2 =	sadd.s32 s2, s17  }
0x8e: {  	[smem:$0x3FC5] =	sst s2  }
0x8f: {  	_ = 	snop  }
0x90: {  	s2 =	sld [smem:$0x3FC8]  }
0x91: {  	s18 =	sld [smem:$0x3FC7]  }
0x92: {  	s4 =	sld [smem:$0x3FD0];
	(tm) =	ssettm $0x1  }
0x93: {  	s5 =	sld [smem:$0x3FFB];
	_ =	sdelay $0x3  }
0x94: {  	_ =	strace s5  }
0x95: {  	s5 =	sld [smem:$0x3FFC];
	_ =	sdelay $0x3  }
0x96: {  	_ =	strace s5  }
0x97: {  	s5 =	sld [smem:$0x3FFD];
	_ =	sdelay $0x3  }
0x98: {  	_ =	strace s5  }
0x99: {  	_ =	strace $0x8FFFFFFF  }
0x9a: {  	s19 =	sld [smem:$0x3FDB];
	_ =	sdelay $0x1  }
0x9b: {  	s6 =	simm.s32 $_scs_section_size  }
0x9c: {  	s7 =	simm.s32 $_size__tile_overlayer_lowered;
	s8 =	simm.s32 $_tile_overlayer_lowered  }
0x9d: {  	s22 =	simm.s32 $0x1BFF;
	s21 =	sshll.u32 s8, $0x1;
	s5 =	sadd.s32 s6, s19  }
0x9e: {  	s9 =	simm.s32 $0x0;
	s20 =	sshll.u32 s7, $0x1;
	s7 =	sadd.s32 s21, s5  }
0x9f: {  	[timem:s9], [sflag:s22] =	dma.local [hbm:s7], s20  }
0xa0: {  	_ =	swait.ge [sflag:s22], s20  }
0xa1: {  	s6 =	ssub.s32 $0x0, s20;
	[sflag:s22] =	ssyncset.done $0x0  }
0xa2: {  	[sflag:s22] =	ssyncadd.s32 s6;
	_ =	sdelay $0x1  }
0xa3: {  	s23 =	simm.s32 $0x1B8B  }
0xa4: {  	_ =	swait.ge [sflag:s23], $0x1  }
0xa5: {  	[sflag:s23] =	ssyncset.done $0x0  }
0xa6: {  	s25 =	simm.s32 $0x1B8E;
	s24 =	sld [smem:$0x3FFE];
	[sflag:s23] =	ssyncadd.s32 $0xFFFFFFFF  }
0xa7: {  	s26 =	simm.s32 $execute0_lowered;
	[smem:$0x3FD2] =	sst s25  }
0xa8: {  	s7 =	sshll.u32 s26, $0x1;
	_ =	strace $0x80000046;
	[dreg:$0x1] =	wrdreg $0xFFFFFFFF  }
0xa9: {  	s28 =	simm.s32 $_size_execute0_lowered;
	s5 =	sadd.s32 s5, s7;
	[dreg:$0x0] =	wrdreg $0x0  }
0xaa: {  	s7 =	sshll.u32 s28, $0x1;
	[dreg:$0x2] =	wrdreg s5  }
0xab: {  	[dreg:$0x3] =	wrdreg s7  }
0xac: {  	[dreg:$0x4] =	wrdreg $0xC0  }
0xad: {  	_ =	task [dreg:s9], $0x5FFFF  }
0xae: {  	[dreg:$0x1] =	wrdreg $0xFFFFFFFF  }
0xaf: {  	[dreg:$0x0] =	wrdreg $0x60  }
0xb0: {  	[dreg:$0x2] =	wrdreg s24  }
0xb1: {  	[dreg:$0x3] =	wrdreg s2  }
0xb2: {  	[dreg:$0x4] =	wrdreg s18  }
0xb3: {  	[dreg:$0x5] =	wrdreg s4  }
0xb4: {  	[dreg:$0x6] =	wrdreg $0x9  }
0xb5: {  	_ =	task.clear_ibuf [dreg:s9], $0x7FFFF;
	_ =	strace $0x90000046  }
0xb6: {  	s29 =	simm.s32 $0x9;
	_ =	strace $0x80000048  }
0xb7: {  	_ =	swait.ge [sflag:s29], $0x1  }
0xb8: {  	[sflag:s29] =	ssyncadd.s32 $0xFFFFFFFF  }
0xb9: {  	_ =	strace $0x90000048  }
0xba: {  	_ =	sfence  }
0xbb: {  	s30 =	sld [smem:$0x0];
	_ =	sdelay $0x2  }
0xbc: {  	s31 =	sshll.u32 s1, $0xD;
	s1 =	sshrl.u32 s1, $0x2  }
0xbd: {  	s3 =	sand.u32 $0x4000, s31;
	s1 =	sadd.s32 s1, s30  }
0xbe: {  	s0 =	sor.u32 s3, s0;
	s1 =	sshll.u32 s1, $0x11  }
0xbf: {  	s0 =	sor.u32 s1, s0  }
0xc0: {  	s0 =	sadd.s32 $0x8F2B, s0  }
0xc1: {  	[sflag:s0] =	ssyncadd.remote.s32 $0x1  }
0xc2: {  	_ =	sfence.sel $0xFFFF  }
0xc3: {  	[dreg:$0x0] =	wrdreg $0xFFFFFFFF;
	(pc) =	sbr.abs _section_cstart, $3  }
0xc4: {  	[dreg:$0x1] =	wrdreg $0xFFFFFFFF  }
0xc5: {  	_ =	task.clear_ibuf [dreg:s9], $0x2FFFF;
	_ =	strace $0x9FFFFFFF  }
0xc6: {  	(tm) =	ssettm $0x7FFFFFFF  }
0xc7: {  	_ =	shalt  }
tec
execute0_lowered:
.L_overlay_start_1:
0x0: {  	(tag) =	ssettag $0x1  }
0x1: {  	s5 =	rddreg [dreg:$0x0]  }
0x2: {  	s1 =	rddreg [dreg:$0x1]  }
0x3: {  	s3 =	rddreg [dreg:$0x2]  }
0x4: {  	s6 =	rddreg [dreg:$0x3]  }
0x5: {  	s0 =	rddreg [dreg:$0x4]  }
0x6: {  	s7 =	srdreg.scid;
	s2 =	stileid.u32  }
0x7: {  	s4 =	simm.s32 $0x0;
	s11 =	simm.s32 $0x200;
	s12 =	simm.s32 $0x8400  }
0x8: {  	s13 =	simm.s32 $0x1;
	s14 =	simm.s32 $0x2;
	s15 =	simm.s32 $0x10400  }
0x9: {  	s16 =	simm.s32 $0x0;
	s7 =	sand.u32 $0x1, s7;
	s8 =	sshll.u32 s2, $0x1  }
0xa: {  	[smem:$0x7FF] =	sst s4;
	s8 =	sor.u32 s7, s8;
	s7 =	ssub.s32 $0x2, s7  }
0xb: {  	_ =	strace $0x80000047;
	s9 =	sshll.u32 s8, $0x7;
	s10 =	sshrl.u32 s7, $0x1  }
0xc: {  	s8 =	sshll.u32 s8, $0x6;
	s5 =	sadd.s32 s9, s5;
	s7 =	ssub.s32 s7, s10  }
0xd: {  	s6 =	sadd.s32 s6, s8;
	s8 =	simm.s32 $0x3;
	s9 =	simm.s32 $0x80  }
0xe: {  	vm0 =	vcmask $0x3F3C;
	s10 =	simm.s32 $0x400;
	s5 =	sadd.s32 $0x400, s5;
	s7 =	smax.u32 s7, $0x1  }
.LBB2_1:
0xf: {  	[tilespmem:s4], [sflag:$0x3] =	stream.linear.gather [hbm4b:s5+s4], $0x400, $0x38;
	[tilespmem:$0x10680] =	vst v63  }
0x10: {  	_ =	swait.ge [sflag:s8], $0x400  }
0x11: {  	[sflag:s8] =	ssyncset.done $0x0  }
0x12: {  	[sflag:s8] =	ssyncadd.s32 $0xFFFFFC00  }
0x13: {  	[tilespmem:s10], [sflag:$0x1] =	stream.indirect.gather [hbm4b:s1+s9], $0x80, s4, s9, $0xb8;
	[tilespmem:$0x10680] =	vst v63  }
0x14: {  	s17 =	simm.s32 $0x0  }
0x15: {  	[tilespmem:s12], [sflag:$0x2] =	stream.indirect.gather [hbm4b:s3+s9], $0x80, s11, s9, $0xb8;
	[tilespmem:$0x10680] =	vst v63  }
.LBB2_3:
0x16: {  	_ =	swait.ge [sflag:s13], $0x4000  }
0x17: {  	s18 =	smov.u32 s17;
	[sflag:s13] =	ssyncset.done $0x0  }
0x18: {  	p0 =	seq.s32 s17, $0x3;
	s17 =	sadd.s32 $0x1, s17;
	[sflag:s13] =	ssyncadd.s32 $0xFFFFC000  }
0x19: {  	s19 =	sshll.u32 @!p0 s18, $0xE;
	s20 =	sshll.u32 @!p0 s17, $0x7;
	_ =	swait.ge [sflag:s14], $0x4000  }
0x1a: {  	s22 =	simm.s32 @!p0 $0x80;
	s19 =	sand.u32 @!p0 $0x4000, s19;
	[sflag:s14] =	ssyncset.done $0x0  }
0x1b: {  	s20 =	sand.u32 @!p0 $0x3FFFFF80, s20;
	s21 =	sxor.u32 @!p0 $0x4400, s19;
	[sflag:s14] =	ssyncadd.s32 $0xFFFFC000  }
0x1c: {  	[tilespmem:s21], [sflag:$0x1] =	stream.indirect.gather @!p0 [hbm4b:s1+s22], $0x80, s20, s22, $0xb8;
	[tilespmem:$0x10680] =	vst v63  }
0x1d: {  	s20 =	sxor.u32 @!p0 $0xC400, s19;
	s19 =	simm.s32 @p0 $0x4000  }
0x1e: {  	s30 =	sadd.s32 $0x8440, s19  }
0x1f: {  	s19 =	sadd.s32 $0x440, s19;
	v0 =	vmov s30  }
0x20: {  	s18 =	sshll.u32 @!p0 s18, $0x9;
	v1 =	vmov s19  }
0x21: {  	s21 =	sshrl.u32 @!p0 s18, $0x2  }
0x22: {  	s31 =	simm.s32 $0x0;
	s19 =	sadd.s32 @!p0 $0x280, s21  }
0x23: {  	[tilespmem:s20], [sflag:$0x2] =	stream.indirect.gather @!p0 [hbm4b:s3+s22], $0x80, s19, s22, $0xb8;
	[tilespmem:$0x10680] =	vst v63  }
0x24: {  	v2 =	vld.idx.msk [tilespmem:v0+s31+$0xFFFFFFC0 ss:$0x1], $0xffff  }
0x25: {  	v3 =	vld.idx.msk [tilespmem:v1+s31+$0xFFFFFFC0 ss:$0x1], $0xffff  }
0x26: {  	v4 =	vld.idx.msk [tilespmem:v1+s31+$0xFFFFFFD0 ss:$0x1], $0xffff  }
0x27: {  	v5 =	vld.idx.msk [tilespmem:v0+s31+$0xFFFFFFD0 ss:$0x1], $0xffff  }
0x28: {  	v6 =	vld.idx.msk [tilespmem:v1+s31+$0xFFFFFFE0 ss:$0x1], $0xffff  }
0x29: {  	v7 =	vld.idx.msk [tilespmem:v0+s31+$0xFFFFFFE0 ss:$0x1], $0xffff  }
0x2a: {  	v8 =	vld.idx.msk [tilespmem:v1+s31+$0xFFFFFFF0 ss:$0x1], $0xffff  }
0x2b: {  	v9 =	vld.idx.msk [tilespmem:v0+s31+$0xFFFFFFF0 ss:$0x1], $0xffff  }
0x2c: {  	v10 =	vld.idx.msk [tilespmem:v1+s31+$0x0 ss:$0x1], $0xffff;
	v2 =	vmul.f32 v2, v3;
	v3 =	vmul.f32 v5, v4  }
0x2d: {  	v4 =	vld.idx.msk [tilespmem:v0+s31+$0x0 ss:$0x1], $0xffff  }
0x2e: {  	v5 =	vld.idx.msk [tilespmem:v1+s31+$0x10 ss:$0x1], $0xffff;
	v2 =	vadd.f32 v3, v2;
	v3 =	vmul.f32 v7, v6  }
0x2f: {  	v6 =	vld.idx.msk [tilespmem:v0+s31+$0x10 ss:$0x1], $0xffff  }
0x30: {  	v62 =	vld.idx.msk [tilespmem:v0+s31+$0x20 ss:$0x1], $0xffff;
	v2 =	vadd.f32 v3, v2;
	v3 =	vmul.f32 v9, v8  }
0x31: {  	v7 =	vld.idx.msk [tilespmem:v1+s31+$0x20 ss:$0x1], $0xffff  }
0x32: {  	v63 =	vld.idx.msk [tilespmem:v1+s31+$0x30 ss:$0x1], $0xffff;
	v2 =	vadd.f32 v3, v2;
	v3 =	vmul.f32 v4, v10  }
0x33: {  	v4 =	vld.idx.msk [tilespmem:v0+s31+$0x30 ss:$0x1], $0xffff  }
0x34: {  	v2 =	vadd.f32 v3, v2;
	v3 =	vmul.f32 v6, v5;
	_ =	sdelay $0x1  }
0x35: {  	v2 =	vadd.f32 v3, v2;
	v3 =	vmul.f32 v62, v7;
	_ =	sdelay $0x1  }
0x36: {  	v2 =	vadd.f32 v3, v2;
	v3 =	vmul.f32 v4, v63;
	_ =	sdelay $0x1  }
0x37: {  	v2 =	vadd.f32 v3, v2;
	_ =	sdelay $0x1  }
0x38: {  	(xrf2) =	vadd.scan.msk.f32 $0xffff, v2;
	_ =	sdelay $0x7  }
0x39: {  	s18 =	simm.s32 @p0 $0x600  }
0x3a: {  	s18 =	sshrl.u32 s18, $0x2  }
0x3b: {  	s18 =	sadd.s32 $0x10400, s18;
	v2, _, _ =	vpop (xrf2)  }
0x3c: {  	s20 =	simm.s32 $0x80;
	[tilespmem:s18+$0x0] =	vst.msk vm0, v2  }
0x3d: {  	v2 =	vld.idx.msk [tilespmem:v0+s20+$0xFFFFFFC0 ss:$0x1], $0xffff  }
0x3e: {  	v3 =	vld.idx.msk [tilespmem:v1+s20+$0xFFFFFFC0 ss:$0x1], $0xffff  }
0x3f: {  	s19 =	simm.s32 $0x400;
	v4 =	vld.idx.msk [tilespmem:v1+s20+$0xFFFFFFD0 ss:$0x1], $0xffff  }
.LBB2_4:
0x40: {  	p0 =	seq.s32 s19, $0xFE00;
	v5 =	vld.idx.msk [tilespmem:v0+s20+$0xFFFFFFD0 ss:$0x1], $0xffff  }
0x41: {  	v6 =	vld.idx.msk [tilespmem:v1+s20+$0xFFFFFFE0 ss:$0x1], $0xffff  }
0x42: {  	v7 =	vld.idx.msk [tilespmem:v0+s20+$0xFFFFFFE0 ss:$0x1], $0xffff  }
0x43: {  	v8 =	vld.idx.msk [tilespmem:v1+s20+$0xFFFFFFF0 ss:$0x1], $0xffff  }
0x44: {  	v9 =	vld.idx.msk [tilespmem:v0+s20+$0xFFFFFFF0 ss:$0x1], $0xffff  }
0x45: {  	v10 =	vld.idx.msk [tilespmem:v1+s20+$0x0 ss:$0x1], $0xffff  }
0x46: {  	v2 =	vmul.f32 v2, v3;
	v3 =	vmul.f32 v5, v4;
	v4 =	vld.idx.msk [tilespmem:v0+s20+$0x0 ss:$0x1], $0xffff  }
0x47: {  	v5 =	vld.idx.msk [tilespmem:v1+s20+$0x10 ss:$0x1], $0xffff  }
0x48: {  	v2 =	vadd.f32 v3, v2;
	v3 =	vmul.f32 v7, v6;
	v6 =	vld.idx.msk [tilespmem:v0+s20+$0x10 ss:$0x1], $0xffff  }
0x49: {  	v7 =	vld.idx.msk [tilespmem:v1+s20+$0x20 ss:$0x1], $0xffff  }
0x4a: {  	v2 =	vadd.f32 v3, v2;
	v3 =	vmul.f32 v9, v8;
	v8 =	vld.idx.msk [tilespmem:v0+s20+$0x20 ss:$0x1], $0xffff  }
0x4b: {  	v9 =	vld.idx.msk [tilespmem:v1+s20+$0x30 ss:$0x1], $0xffff  }
0x4c: {  	v2 =	vadd.f32 v3, v2;
	v3 =	vmul.f32 v4, v10;
	v4 =	vld.idx.msk [tilespmem:v0+s20+$0x30 ss:$0x1], $0xffff;
	_ =	sdelay $0x1  }
0x4d: {  	v2 =	vadd.f32 v3, v2;
	v3 =	vmul.f32 v6, v5;
	_ =	sdelay $0x1  }
0x4e: {  	v2 =	vadd.f32 v3, v2;
	v3 =	vmul.f32 v8, v7;
	_ =	sdelay $0x1  }
0x4f: {  	v2 =	vadd.f32 v3, v2;
	v3 =	vmul.f32 v4, v9;
	_ =	sdelay $0x1  }
0x50: {  	v2 =	vadd.f32 v3, v2;
	_ =	sdelay $0x1  }
0x51: {  	(xrf2) =	vadd.scan.msk.f32 $0xffff, v2;
	_ =	sdelay $0x9  }
.Ltmp0:
0x52: {  	s18 =	sadd.s32 $0x1, s18;
	v2, _, _ =	vpop (xrf2);
	(pc) =	sbr.rel @!p0 .LBB2_4-.Ltmp0, $4  }
0x53: {  	s20 =	sshra.s32 s19, $0x2;
	[tilespmem:s18+$0x0] =	vst.msk vm0, v2  }
0x54: {  	v2 =	vld.idx.msk [tilespmem:v0+s20+$0xFFFFFFC0 ss:$0x1], $0xffff  }
0x55: {  	v3 =	vld.idx.msk [tilespmem:v1+s20+$0xFFFFFFC0 ss:$0x1], $0xffff  }
0x56: {  	s19 =	sadd.s32 $0x200, s19;
	v4 =	vld.idx.msk [tilespmem:v1+s20+$0xFFFFFFD0 ss:$0x1], $0xffff  }
0x57: {  	_ =	sdelay $0x3  }
0x58: {  	v5 =	vld.idx.msk [tilespmem:v0+s20+$0xFFFFFFD0 ss:$0x1], $0xffff  }
0x59: {  	v6 =	vld.idx.msk [tilespmem:v1+s20+$0xFFFFFFE0 ss:$0x1], $0xffff  }
0x5a: {  	v7 =	vld.idx.msk [tilespmem:v0+s20+$0xFFFFFFE0 ss:$0x1], $0xffff  }
0x5b: {  	v8 =	vld.idx.msk [tilespmem:v1+s20+$0xFFFFFFF0 ss:$0x1], $0xffff  }
0x5c: {  	v9 =	vld.idx.msk [tilespmem:v0+s20+$0xFFFFFFF0 ss:$0x1], $0xffff  }
0x5d: {  	v10 =	vld.idx.msk [tilespmem:v1+s20+$0x0 ss:$0x1], $0xffff;
	v2 =	vmul.f32 v2, v3;
	v51 =	vmul.f32 v5, v4  }
0x5e: {  	v52 =	vld.idx.msk [tilespmem:v0+s20+$0x0 ss:$0x1], $0xffff  }
0x5f: {  	v53 =	vld.idx.msk [tilespmem:v1+s20+$0x10 ss:$0x1], $0xffff;
	v54 =	vmul.f32 v7, v6;
	v2 =	vadd.f32 v51, v2  }
0x60: {  	v55 =	vld.idx.msk [tilespmem:v0+s20+$0x10 ss:$0x1], $0xffff  }
0x61: {  	v56 =	vld.idx.msk [tilespmem:v1+s20+$0x20 ss:$0x1], $0xffff;
	v57 =	vmul.f32 v9, v8;
	v2 =	vadd.f32 v54, v2  }
0x62: {  	v58 =	vld.idx.msk [tilespmem:v0+s20+$0x20 ss:$0x1], $0xffff  }
0x63: {  	v59 =	vld.idx.msk [tilespmem:v1+s20+$0x30 ss:$0x1], $0xffff;
	v60 =	vmul.f32 v52, v10;
	v2 =	vadd.f32 v57, v2  }
0x64: {  	v61 =	vld.idx.msk [tilespmem:v0+s20+$0x30 ss:$0x1], $0xffff  }
0x65: {  	v62 =	vmul.f32 v55, v53;
	v2 =	vadd.f32 v60, v2;
	_ =	sdelay $0x1  }
0x66: {  	v63 =	vmul.f32 v58, v56;
	v2 =	vadd.f32 v62, v2;
	_ =	sdelay $0x1  }
0x67: {  	v0 =	vmul.f32 v61, v59;
	v2 =	vadd.f32 v63, v2;
	_ =	sdelay $0x1  }
0x68: {  	v0 =	vadd.f32 v0, v2;
	_ =	sdelay $0x1  }
0x69: {  	(xrf2) =	vadd.scan.msk.f32 $0xffff, v0;
	_ =	sdelay $0x9  }
0x6a: {  	s18 =	sadd.s32 $0x1, s18;
	v0, _, _ =	vpop (xrf2)  }
0x6b: {  	[tilespmem:s18+$0x0] =	vst.msk vm0, v0  }
0x6c: {  	p0 =	seq.s32 s17, $0x4  }
.Ltmp1:
0x6d: {  	_ = 	snop;
	(pc) =	sbr.rel @!p0 .LBB2_3-.Ltmp1, $1  }
0x6e: {  	_ =	sdelay $0x3  }
0x6f: {  	s16 =	sadd.s32 $0x1, s16  }
0x70: {  	p0 =	sne.s32 s16, s7  }
.Ltmp2:
0x71: {  	_ = 	snop;
	(pc) =	sbr.rel @p0 .LBB2_1-.Ltmp2, $4  }
0x72: {  	[hbm4b:s6+s4] =	stream.linear.scatter [tilespmem:s15], [sflag:$0x3], $0x200, $0x38;
	[tilespmem:$0x10680] =	vst v63  }
0x73: {  	_ =	swait.ge [sflag:s8], $0x200  }
0x74: {  	[sflag:s8] =	ssyncset.done $0x0  }
0x75: {  	[sflag:s8] =	ssyncadd.s32 $0xFFFFFE00  }
0x76: {  	_ =	sfence.sel $0x180000  }
0x77: {  	[bflag:$0x0] =	sbarrier.arrive $0xFFFF  }
0x78: {  	p0 =	sne.s32 s2, $0x0;
	_ =	strace $0x90000047  }
0x79: {  	s0 =	sadd.s32 @!p0 $0x100000, s0;
	[bflag:$0x2] =	sbarrier.arrive $0xFFFF  }
0x7a: {  	[sflag:s0] =	ssyncadd.tile.s32 @!p0 $0x1;
	_ =	shalt  }
.Lfunc_end2:
_tile_overlayer_lowered:
.L_overlay_start_2:
0x7b: {  	(tag) =	ssettag $0x2  }
0x7c: {  	s0 =	rddreg [dreg:$0x0];
	s2 =	stileid.u32  }
0x7d: {  	s1 =	rddreg [dreg:$0x1];
	p0 =	sne.s32 s2, $0x0  }
0x7e: {  	s3 =	rddreg [dreg:$0x2];
	[bflag:$0x3] =	sbarrier.arrive $0xFFFF;
	s2 =	simm.s32 @!p0 $0x1C03  }
0x7f: {  	[timem:s3], [sflag:s2] =	dma.local @!p0 [hbm:s0], s1  }
0x80: {  	s0 =	simm.s32 @!p0 $0x3  }
0x81: {  	_ =	swait.ge @!p0 [sflag:s0], s1  }
0x82: {  	s1 =	ssub.s32 @!p0 $0x0, s1;
	[sflag:s0] =	ssyncset.done @!p0 $0x0  }
0x83: {  	[sflag:s0] =	ssyncadd.s32 @!p0 s1  }
0x84: {  	[bflag:$0x3] =	sbarrier.arrive $0xFFFF  }
0x85: {  	_ =	shalt  }

</sc_bundles>
